<compile_context>
chip_gen: v7x
topology: tpu7x:2x2x1
jax: 0.10.2.dev20260603
libtpu: 0.0.44.dev20260713+nightly
codegen_flags: <defaults>
</compile_context>

<pallas_src>
import functools

import jax
import jax.numpy as jnp
from jax import lax
from jax.experimental import pallas as pl
from jax.experimental.pallas import tpu as pltpu
from jax.experimental.pallas import tpu_sc as plsc

_B, _C, _H, _W = 16, 256, 32, 32
_HW = _H * _W
_NC, _NS = 2, 16
_RPT = _HW // _NS
_BPC = _B // _NC


def _sc_body(row_hbm, col_hbm, out_hbm, blk, sem):
    c = lax.axis_index("c")
    s = lax.axis_index("s")
    pltpu.sync_copy(col_hbm.at[pl.ds(0, _W)], blk.at[pl.ds(0, _W), pl.ds(0, _C)])
    pltpu.sync_copy(col_hbm.at[pl.ds(0, _W)], blk.at[pl.ds(_W, _W), pl.ds(0, _C)])
    h0 = s * 2
    for half in range(2):
        for q in range(2):
            idx = jnp.full((16,), h0 + half, jnp.int32)
            pltpu.sync_copy(
                row_hbm.at[idx],
                blk.at[pl.ds(half * _W + q * 16, 16), pl.ds(_C, _C)],
            )
    r0 = s * _RPT
    copies = [
        pltpu.async_copy(blk, out_hbm.at[c * _BPC + i, pl.ds(r0, _RPT)], sem)
        for i in range(_BPC)
    ]
    for cp in copies:
        cp.wait()


def kernel(mask, row_embed, col_embed):
    B, H, W = mask.shape
    C = row_embed.shape[1]
    mesh = plsc.VectorSubcoreMesh(
        core_axis_name="c", subcore_axis_name="s",
        num_cores=_NC, num_subcores=_NS,
    )
    sc_call = functools.partial(
        pl.kernel,
        out_type=jax.ShapeDtypeStruct((B, H * W, 2 * C), jnp.float32),
        mesh=mesh,
        scratch_types=[
            pltpu.VMEM((_RPT, 2 * _C), jnp.float32),
            pltpu.SemaphoreType.DMA,
        ],
    )(_sc_body)
    out = sc_call(row_embed, col_embed)
    return out.reshape(B, H, W, 2 * C).transpose(0, 3, 1, 2)

# --- scband reference (transcript-rebuilt; emitter-appended) ---
"""Pipeline reference for scband-learned-position-encoding-69904887710678 (READ-ONLY COPY).

The authoritative reference and input builder live on the scoring server;
editing this copy changes nothing except your own understanding.
"""

import jax, jax.numpy as jnp
import numpy as np

NUM_FEATS = 256
NUM_POSITIONS = 50
B, H, W = 16, 32, 32

def setup_inputs(seed: int = 0) -> dict:
    key = jax.random.key(seed)
    k1, k2 = jax.random.split(key, 2)
    mask = jnp.ones((B, H, W), dtype=bool)
    row_embed = jax.random.uniform(k1, (NUM_POSITIONS, NUM_FEATS), dtype=jnp.float32)
    col_embed = jax.random.uniform(k2, (NUM_POSITIONS, NUM_FEATS), dtype=jnp.float32)
    return {"mask": mask, "row_embed": row_embed, "col_embed": col_embed}

def reference(mask, row_embed, col_embed):
    Hc, Wc = mask.shape[-2:]
    i = jnp.arange(Wc)
    j = jnp.arange(Hc)
    x_embed = jnp.take(col_embed, i, axis=0)  # (W, C)
    y_embed = jnp.take(row_embed, j, axis=0)  # (H, C)
    pos = jnp.concatenate([
        jnp.tile(x_embed[None, :, :], (Hc, 1, 1)),  # (H, W, C)
        jnp.tile(y_embed[:, None, :], (1, Wc, 1)),  # (H, W, C)
    ], axis=-1)  # (H, W, 2C)
    pos = jnp.transpose(pos, (2, 0, 1))[None]  # (1, 2C, H, W)
    pos = jnp.tile(pos, (mask.shape[0], 1, 1, 1))  # (B, 2C, H, W)
    return pos

if __name__ == "__main__":
    import jax
    _d = setup_inputs()
    print(jax.jit(kernel)(*tuple(_d.values())))

</pallas_src>

<mosaic_0001>
#map = affine_map<(d0, d1) -> (0, 0)>
#map1 = affine_map<(d0, d1) -> (0, 0, 0)>
module attributes {stable_mosaic.version = 14 : i64} {
  func.func @_sc_body(%arg0: i32, %arg1: i32, %arg2: memref<50x256xf32, #tpu.memory_space<hbm>>, %arg3: memref<50x256xf32, #tpu.memory_space<hbm>>, %arg4: memref<16x1024x512xf32, #tpu.memory_space<hbm>>, %arg5: memref<64x512xf32, #tpu.memory_space<vmem>>, %arg6: memref<!tpu.dma_semaphore, #tpu.memory_space<semaphore_mem>>) attributes {dimension_semantics = [#tpu.dimension_semantics<core_parallel>, #tpu.dimension_semantics<subcore_parallel>], iteration_bounds = array<i64: 2, 16>, scalar_prefetch = 0 : i64, scratch_operands = 2 : i64, tpu.core_type = #tpu.core_type<sc_vector_subcore>, window_params = [{transform_indices = #map}, {transform_indices = #map}, {transform_indices = #map1}]} {
    "tpu.region"() ({
      %run_scoped3A = tpu.sem_alloc : memref<!tpu.dma_semaphore, #tpu.memory_space<semaphore_mem>>
      %dma_start3A_139 = arith.constant 0 : i32
      %dma_start3A_140 = arith.constant 0 : i32
      %dma_start3A_141 = tpu.memref_slice %arg5[%dma_start3A_139, %dma_start3A_140] : memref<64x512xf32, #tpu.memory_space<vmem>> -> memref<32x256xf32, #tpu.memory_space<vmem>>
      %dma_start3A_142 = arith.constant 0 : i32
      %dma_start3A_143 = arith.constant 0 : i32
      %dma_start3A_144 = tpu.memref_slice %arg3[%dma_start3A_142, %dma_start3A_143] : memref<50x256xf32, #tpu.memory_space<hbm>> -> memref<32x256xf32, #tpu.memory_space<hbm>>
      %dma_start3A_145 = arith.constant 0 : i32
      %dma_start3A_146 = arith.constant 0 : i32
      %dma_start3A_147 = tpu.memref_slice %arg5[%dma_start3A_145, %dma_start3A_146] : memref<64x512xf32, #tpu.memory_space<vmem>> -> memref<32x256xf32, #tpu.memory_space<vmem>>
      %dma_start3A_148 = arith.constant 0 : i32
      %dma_start3A_149 = arith.constant 0 : i32
      %dma_start3A_150 = tpu.memref_slice %arg3[%dma_start3A_148, %dma_start3A_149] : memref<50x256xf32, #tpu.memory_space<hbm>> -> memref<32x256xf32, #tpu.memory_space<hbm>>
      tpu.enqueue_dma source(%dma_start3A_150 : memref<32x256xf32, #tpu.memory_space<hbm>>) target(%dma_start3A_147 : memref<32x256xf32, #tpu.memory_space<vmem>>) target_semaphore(%run_scoped3A : memref<!tpu.dma_semaphore, #tpu.memory_space<semaphore_mem>>)
      %dma_wait3A_151 = arith.constant 0 : i32
      %dma_wait3A_152 = arith.constant 0 : i32
      %dma_wait3A_153 = tpu.memref_slice %arg5[%dma_wait3A_151, %dma_wait3A_152] : memref<64x512xf32, #tpu.memory_space<vmem>> -> memref<32x256xf32, #tpu.memory_space<vmem>>
      %dma_wait3A_154 = arith.constant 0 : i32
      %dma_wait3A_155 = arith.constant 0 : i32
      %dma_wait3A_156 = tpu.memref_slice %arg3[%dma_wait3A_154, %dma_wait3A_155] : memref<50x256xf32, #tpu.memory_space<hbm>> -> memref<32x256xf32, #tpu.memory_space<hbm>>
      %dma_wait3A_157 = arith.constant 0 : i32
      %dma_wait3A_158 = arith.constant 0 : i32
      %dma_wait3A_159 = tpu.memref_slice %arg5[%dma_wait3A_157, %dma_wait3A_158] : memref<64x512xf32, #tpu.memory_space<vmem>> -> memref<32x256xf32, #tpu.memory_space<vmem>>
      %dma_wait3A_160 = arith.constant 0 : i32
      %dma_wait3A_161 = arith.constant 0 : i32
      %dma_wait3A_162 = tpu.memref_slice %arg3[%dma_wait3A_160, %dma_wait3A_161] : memref<50x256xf32, #tpu.memory_space<hbm>> -> memref<32x256xf32, #tpu.memory_space<hbm>>
      tpu.wait_dma2 semaphore(%run_scoped3A : memref<!tpu.dma_semaphore, #tpu.memory_space<semaphore_mem>>) src(%dma_wait3A_162 : memref<32x256xf32, #tpu.memory_space<hbm>>) dst(%dma_wait3A_159 : memref<32x256xf32, #tpu.memory_space<vmem>>)
      tpu.yield
    }) : () -> ()
    "tpu.region"() ({
      %run_scoped3A = tpu.sem_alloc : memref<!tpu.dma_semaphore, #tpu.memory_space<semaphore_mem>>
      %dma_start3A_139 = arith.constant 32 : i32
      %dma_start3A_140 = arith.constant 0 : i32
      %dma_start3A_141 = tpu.memref_slice %arg5[%dma_start3A_139, %dma_start3A_140] : memref<64x512xf32, #tpu.memory_space<vmem>> -> memref<32x256xf32, #tpu.memory_space<vmem>>
      %dma_start3A_142 = arith.constant 0 : i32
      %dma_start3A_143 = arith.constant 0 : i32
      %dma_start3A_144 = tpu.memref_slice %arg3[%dma_start3A_142, %dma_start3A_143] : memref<50x256xf32, #tpu.memory_space<hbm>> -> memref<32x256xf32, #tpu.memory_space<hbm>>
      %dma_start3A_145 = arith.constant 32 : i32
      %dma_start3A_146 = arith.constant 0 : i32
      %dma_start3A_147 = tpu.memref_slice %arg5[%dma_start3A_145, %dma_start3A_146] : memref<64x512xf32, #tpu.memory_space<vmem>> -> memref<32x256xf32, #tpu.memory_space<vmem>>
      %dma_start3A_148 = arith.constant 0 : i32
      %dma_start3A_149 = arith.constant 0 : i32
      %dma_start3A_150 = tpu.memref_slice %arg3[%dma_start3A_148, %dma_start3A_149] : memref<50x256xf32, #tpu.memory_space<hbm>> -> memref<32x256xf32, #tpu.memory_space<hbm>>
      tpu.enqueue_dma source(%dma_start3A_150 : memref<32x256xf32, #tpu.memory_space<hbm>>) target(%dma_start3A_147 : memref<32x256xf32, #tpu.memory_space<vmem>>) target_semaphore(%run_scoped3A : memref<!tpu.dma_semaphore, #tpu.memory_space<semaphore_mem>>)
      %dma_wait3A_151 = arith.constant 32 : i32
      %dma_wait3A_152 = arith.constant 0 : i32
      %dma_wait3A_153 = tpu.memref_slice %arg5[%dma_wait3A_151, %dma_wait3A_152] : memref<64x512xf32, #tpu.memory_space<vmem>> -> memref<32x256xf32, #tpu.memory_space<vmem>>
      %dma_wait3A_154 = arith.constant 0 : i32
      %dma_wait3A_155 = arith.constant 0 : i32
      %dma_wait3A_156 = tpu.memref_slice %arg3[%dma_wait3A_154, %dma_wait3A_155] : memref<50x256xf32, #tpu.memory_space<hbm>> -> memref<32x256xf32, #tpu.memory_space<hbm>>
      %dma_wait3A_157 = arith.constant 32 : i32
      %dma_wait3A_158 = arith.constant 0 : i32
      %dma_wait3A_159 = tpu.memref_slice %arg5[%dma_wait3A_157, %dma_wait3A_158] : memref<64x512xf32, #tpu.memory_space<vmem>> -> memref<32x256xf32, #tpu.memory_space<vmem>>
      %dma_wait3A_160 = arith.constant 0 : i32
      %dma_wait3A_161 = arith.constant 0 : i32
      %dma_wait3A_162 = tpu.memref_slice %arg3[%dma_wait3A_160, %dma_wait3A_161] : memref<50x256xf32, #tpu.memory_space<hbm>> -> memref<32x256xf32, #tpu.memory_space<hbm>>
      tpu.wait_dma2 semaphore(%run_scoped3A : memref<!tpu.dma_semaphore, #tpu.memory_space<semaphore_mem>>) src(%dma_wait3A_162 : memref<32x256xf32, #tpu.memory_space<hbm>>) dst(%dma_wait3A_159 : memref<32x256xf32, #tpu.memory_space<vmem>>)
      tpu.yield
    }) : () -> ()
    %mul3A = arith.constant 2 : i32
    %mul3A_0 = arith.muli %arg1, %mul3A : i32
    %add3A = arith.constant 0 : i32
    %add3A_1 = arith.addi %mul3A_0, %add3A : i32
    %broadcast_in_dim3A = vector.broadcast %add3A_1 : i32 to vector<16xi32>
    "tpu.region"() ({
      %run_scoped3A = tpu.sem_alloc : memref<!tpu.dma_semaphore, #tpu.memory_space<semaphore_mem>>
      %dma_start3A_139 = arith.constant 0 : i32
      %dma_start3A_140 = arith.constant 256 : i32
      %dma_start3A_141 = tpu.memref_slice %arg5[%dma_start3A_139, %dma_start3A_140] : memref<64x512xf32, #tpu.memory_space<vmem>> -> memref<16x256xf32, #tpu.memory_space<vmem>>
      %dma_start3A_142 = arith.constant 0 : i32
      %dma_start3A_143 = arith.constant 0 : i32
      %dma_start3A_144 = tpu.memref_slice %arg2[%dma_start3A_142, %dma_start3A_143] : memref<50x256xf32, #tpu.memory_space<hbm>> -> memref<50x256xf32, #tpu.memory_space<hbm>>
      tpu.enqueue_indirect_dma source(%dma_start3A_144 : memref<50x256xf32, #tpu.memory_space<hbm>>) target(%dma_start3A_141 : memref<16x256xf32, #tpu.memory_space<vmem>>) offsets(%broadcast_in_dim3A : vector<16xi32>) semaphore(%run_scoped3A : memref<!tpu.dma_semaphore, #tpu.memory_space<semaphore_mem>>)
      %dma_wait3A_145 = arith.constant 0 : i32
      %dma_wait3A_146 = arith.constant 256 : i32
      %dma_wait3A_147 = tpu.memref_slice %arg5[%dma_wait3A_145, %dma_wait3A_146] : memref<64x512xf32, #tpu.memory_space<vmem>> -> memref<16x256xf32, #tpu.memory_space<vmem>>
      %dma_wait3A_148 = arith.constant 0 : i32
      %dma_wait3A_149 = arith.constant 0 : i32
      %dma_wait3A_150 = tpu.memref_slice %arg2[%dma_wait3A_148, %dma_wait3A_149] : memref<50x256xf32, #tpu.memory_space<hbm>> -> memref<50x256xf32, #tpu.memory_space<hbm>>
      tpu.wait_indirect_dma semaphore(%run_scoped3A : memref<!tpu.dma_semaphore, #tpu.memory_space<semaphore_mem>>) src(%dma_wait3A_150 : memref<50x256xf32, #tpu.memory_space<hbm>>) dst(%dma_wait3A_147 : memref<16x256xf32, #tpu.memory_space<vmem>>)
      tpu.yield
    }) : () -> ()
    %add3A_2 = arith.constant 0 : i32
    %add3A_3 = arith.addi %mul3A_0, %add3A_2 : i32
    %broadcast_in_dim3A_4 = vector.broadcast %add3A_3 : i32 to vector<16xi32>
    "tpu.region"() ({
      %run_scoped3A = tpu.sem_alloc : memref<!tpu.dma_semaphore, #tpu.memory_space<semaphore_mem>>
      %dma_start3A_139 = arith.constant 16 : i32
      %dma_start3A_140 = arith.constant 256 : i32
      %dma_start3A_141 = tpu.memref_slice %arg5[%dma_start3A_139, %dma_start3A_140] : memref<64x512xf32, #tpu.memory_space<vmem>> -> memref<16x256xf32, #tpu.memory_space<vmem>>
      %dma_start3A_142 = arith.constant 0 : i32
      %dma_start3A_143 = arith.constant 0 : i32
      %dma_start3A_144 = tpu.memref_slice %arg2[%dma_start3A_142, %dma_start3A_143] : memref<50x256xf32, #tpu.memory_space<hbm>> -> memref<50x256xf32, #tpu.memory_space<hbm>>
      tpu.enqueue_indirect_dma source(%dma_start3A_144 : memref<50x256xf32, #tpu.memory_space<hbm>>) target(%dma_start3A_141 : memref<16x256xf32, #tpu.memory_space<vmem>>) offsets(%broadcast_in_dim3A_4 : vector<16xi32>) semaphore(%run_scoped3A : memref<!tpu.dma_semaphore, #tpu.memory_space<semaphore_mem>>)
      %dma_wait3A_145 = arith.constant 16 : i32
      %dma_wait3A_146 = arith.constant 256 : i32
      %dma_wait3A_147 = tpu.memref_slice %arg5[%dma_wait3A_145, %dma_wait3A_146] : memref<64x512xf32, #tpu.memory_space<vmem>> -> memref<16x256xf32, #tpu.memory_space<vmem>>
      %dma_wait3A_148 = arith.constant 0 : i32
      %dma_wait3A_149 = arith.constant 0 : i32
      %dma_wait3A_150 = tpu.memref_slice %arg2[%dma_wait3A_148, %dma_wait3A_149] : memref<50x256xf32, #tpu.memory_space<hbm>> -> memref<50x256xf32, #tpu.memory_space<hbm>>
      tpu.wait_indirect_dma semaphore(%run_scoped3A : memref<!tpu.dma_semaphore, #tpu.memory_space<semaphore_mem>>) src(%dma_wait3A_150 : memref<50x256xf32, #tpu.memory_space<hbm>>) dst(%dma_wait3A_147 : memref<16x256xf32, #tpu.memory_space<vmem>>)
      tpu.yield
    }) : () -> ()
    %add3A_5 = arith.constant 1 : i32
    %add3A_6 = arith.addi %mul3A_0, %add3A_5 : i32
    %broadcast_in_dim3A_7 = vector.broadcast %add3A_6 : i32 to vector<16xi32>
    "tpu.region"() ({
      %run_scoped3A = tpu.sem_alloc : memref<!tpu.dma_semaphore, #tpu.memory_space<semaphore_mem>>
      %dma_start3A_139 = arith.constant 32 : i32
      %dma_start3A_140 = arith.constant 256 : i32
      %dma_start3A_141 = tpu.memref_slice %arg5[%dma_start3A_139, %dma_start3A_140] : memref<64x512xf32, #tpu.memory_space<vmem>> -> memref<16x256xf32, #tpu.memory_space<vmem>>
      %dma_start3A_142 = arith.constant 0 : i32
      %dma_start3A_143 = arith.constant 0 : i32
      %dma_start3A_144 = tpu.memref_slice %arg2[%dma_start3A_142, %dma_start3A_143] : memref<50x256xf32, #tpu.memory_space<hbm>> -> memref<50x256xf32, #tpu.memory_space<hbm>>
      tpu.enqueue_indirect_dma source(%dma_start3A_144 : memref<50x256xf32, #tpu.memory_space<hbm>>) target(%dma_start3A_141 : memref<16x256xf32, #tpu.memory_space<vmem>>) offsets(%broadcast_in_dim3A_7 : vector<16xi32>) semaphore(%run_scoped3A : memref<!tpu.dma_semaphore, #tpu.memory_space<semaphore_mem>>)
      %dma_wait3A_145 = arith.constant 32 : i32
      %dma_wait3A_146 = arith.constant 256 : i32
      %dma_wait3A_147 = tpu.memref_slice %arg5[%dma_wait3A_145, %dma_wait3A_146] : memref<64x512xf32, #tpu.memory_space<vmem>> -> memref<16x256xf32, #tpu.memory_space<vmem>>
      %dma_wait3A_148 = arith.constant 0 : i32
      %dma_wait3A_149 = arith.constant 0 : i32
      %dma_wait3A_150 = tpu.memref_slice %arg2[%dma_wait3A_148, %dma_wait3A_149] : memref<50x256xf32, #tpu.memory_space<hbm>> -> memref<50x256xf32, #tpu.memory_space<hbm>>
      tpu.wait_indirect_dma semaphore(%run_scoped3A : memref<!tpu.dma_semaphore, #tpu.memory_space<semaphore_mem>>) src(%dma_wait3A_150 : memref<50x256xf32, #tpu.memory_space<hbm>>) dst(%dma_wait3A_147 : memref<16x256xf32, #tpu.memory_space<vmem>>)
      tpu.yield
    }) : () -> ()
    %add3A_8 = arith.constant 1 : i32
    %add3A_9 = arith.addi %mul3A_0, %add3A_8 : i32
    %broadcast_in_dim3A_10 = vector.broadcast %add3A_9 : i32 to vector<16xi32>
    "tpu.region"() ({
      %run_scoped3A = tpu.sem_alloc : memref<!tpu.dma_semaphore, #tpu.memory_space<semaphore_mem>>
      %dma_start3A_139 = arith.constant 48 : i32
      %dma_start3A_140 = arith.constant 256 : i32
      %dma_start3A_141 = tpu.memref_slice %arg5[%dma_start3A_139, %dma_start3A_140] : memref<64x512xf32, #tpu.memory_space<vmem>> -> memref<16x256xf32, #tpu.memory_space<vmem>>
      %dma_start3A_142 = arith.constant 0 : i32
      %dma_start3A_143 = arith.constant 0 : i32
      %dma_start3A_144 = tpu.memref_slice %arg2[%dma_start3A_142, %dma_start3A_143] : memref<50x256xf32, #tpu.memory_space<hbm>> -> memref<50x256xf32, #tpu.memory_space<hbm>>
      tpu.enqueue_indirect_dma source(%dma_start3A_144 : memref<50x256xf32, #tpu.memory_space<hbm>>) target(%dma_start3A_141 : memref<16x256xf32, #tpu.memory_space<vmem>>) offsets(%broadcast_in_dim3A_10 : vector<16xi32>) semaphore(%run_scoped3A : memref<!tpu.dma_semaphore, #tpu.memory_space<semaphore_mem>>)
      %dma_wait3A_145 = arith.constant 48 : i32
      %dma_wait3A_146 = arith.constant 256 : i32
      %dma_wait3A_147 = tpu.memref_slice %arg5[%dma_wait3A_145, %dma_wait3A_146] : memref<64x512xf32, #tpu.memory_space<vmem>> -> memref<16x256xf32, #tpu.memory_space<vmem>>
      %dma_wait3A_148 = arith.constant 0 : i32
      %dma_wait3A_149 = arith.constant 0 : i32
      %dma_wait3A_150 = tpu.memref_slice %arg2[%dma_wait3A_148, %dma_wait3A_149] : memref<50x256xf32, #tpu.memory_space<hbm>> -> memref<50x256xf32, #tpu.memory_space<hbm>>
      tpu.wait_indirect_dma semaphore(%run_scoped3A : memref<!tpu.dma_semaphore, #tpu.memory_space<semaphore_mem>>) src(%dma_wait3A_150 : memref<50x256xf32, #tpu.memory_space<hbm>>) dst(%dma_wait3A_147 : memref<16x256xf32, #tpu.memory_space<vmem>>)
      tpu.yield
    }) : () -> ()
    %mul3A_11 = arith.constant 64 : i32
    %mul3A_12 = arith.muli %arg1, %mul3A_11 : i32
    %mul3A_13 = arith.constant 8 : i32
    %mul3A_14 = arith.muli %arg0, %mul3A_13 : i32
    %add3A_15 = arith.constant 0 : i32
    %add3A_16 = arith.addi %mul3A_14, %add3A_15 : i32
    %dma_start3A = arith.constant 0 : i32
    %dma_start3A_17 = tpu.memref_slice %arg4[%add3A_16, %mul3A_12, %dma_start3A] : memref<16x1024x512xf32, #tpu.memory_space<hbm>> -> memref<1x64x512xf32, #tpu.memory_space<hbm>>
    %dma_start3A_18 = tpu.memref_squeeze %dma_start3A_17 : memref<1x64x512xf32, #tpu.memory_space<hbm>> -> memref<64x512xf32, #tpu.memory_space<hbm>>
    %dma_start3A_19 = arith.constant 0 : i32
    %dma_start3A_20 = tpu.memref_slice %arg4[%add3A_16, %mul3A_12, %dma_start3A_19] : memref<16x1024x512xf32, #tpu.memory_space<hbm>> -> memref<1x64x512xf32, #tpu.memory_space<hbm>>
    %dma_start3A_21 = tpu.memref_squeeze %dma_start3A_20 : memref<1x64x512xf32, #tpu.memory_space<hbm>> -> memref<64x512xf32, #tpu.memory_space<hbm>>
    tpu.enqueue_dma source(%arg5 : memref<64x512xf32, #tpu.memory_space<vmem>>) target(%dma_start3A_21 : memref<64x512xf32, #tpu.memory_space<hbm>>) target_semaphore(%arg6 : memref<!tpu.dma_semaphore, #tpu.memory_space<semaphore_mem>>)
    %mul3A_22 = arith.constant 8 : i32
    %mul3A_23 = arith.muli %arg0, %mul3A_22 : i32
    %add3A_24 = arith.constant 1 : i32
    %add3A_25 = arith.addi %mul3A_23, %add3A_24 : i32
    %dma_start3A_26 = arith.constant 0 : i32
    %dma_start3A_27 = tpu.memref_slice %arg4[%add3A_25, %mul3A_12, %dma_start3A_26] : memref<16x1024x512xf32, #tpu.memory_space<hbm>> -> memref<1x64x512xf32, #tpu.memory_space<hbm>>
    %dma_start3A_28 = tpu.memref_squeeze %dma_start3A_27 : memref<1x64x512xf32, #tpu.memory_space<hbm>> -> memref<64x512xf32, #tpu.memory_space<hbm>>
    %dma_start3A_29 = arith.constant 0 : i32
    %dma_start3A_30 = tpu.memref_slice %arg4[%add3A_25, %mul3A_12, %dma_start3A_29] : memref<16x1024x512xf32, #tpu.memory_space<hbm>> -> memref<1x64x512xf32, #tpu.memory_space<hbm>>
    %dma_start3A_31 = tpu.memref_squeeze %dma_start3A_30 : memref<1x64x512xf32, #tpu.memory_space<hbm>> -> memref<64x512xf32, #tpu.memory_space<hbm>>
    tpu.enqueue_dma source(%arg5 : memref<64x512xf32, #tpu.memory_space<vmem>>) target(%dma_start3A_31 : memref<64x512xf32, #tpu.memory_space<hbm>>) target_semaphore(%arg6 : memref<!tpu.dma_semaphore, #tpu.memory_space<semaphore_mem>>)
    %mul3A_32 = arith.constant 8 : i32
    %mul3A_33 = arith.muli %arg0, %mul3A_32 : i32
    %add3A_34 = arith.constant 2 : i32
    %add3A_35 = arith.addi %mul3A_33, %add3A_34 : i32
    %dma_start3A_36 = arith.constant 0 : i32
    %dma_start3A_37 = tpu.memref_slice %arg4[%add3A_35, %mul3A_12, %dma_start3A_36] : memref<16x1024x512xf32, #tpu.memory_space<hbm>> -> memref<1x64x512xf32, #tpu.memory_space<hbm>>
    %dma_start3A_38 = tpu.memref_squeeze %dma_start3A_37 : memref<1x64x512xf32, #tpu.memory_space<hbm>> -> memref<64x512xf32, #tpu.memory_space<hbm>>
    %dma_start3A_39 = arith.constant 0 : i32
    %dma_start3A_40 = tpu.memref_slice %arg4[%add3A_35, %mul3A_12, %dma_start3A_39] : memref<16x1024x512xf32, #tpu.memory_space<hbm>> -> memref<1x64x512xf32, #tpu.memory_space<hbm>>
    %dma_start3A_41 = tpu.memref_squeeze %dma_start3A_40 : memref<1x64x512xf32, #tpu.memory_space<hbm>> -> memref<64x512xf32, #tpu.memory_space<hbm>>
    tpu.enqueue_dma source(%arg5 : memref<64x512xf32, #tpu.memory_space<vmem>>) target(%dma_start3A_41 : memref<64x512xf32, #tpu.memory_space<hbm>>) target_semaphore(%arg6 : memref<!tpu.dma_semaphore, #tpu.memory_space<semaphore_mem>>)
    %mul3A_42 = arith.constant 8 : i32
    %mul3A_43 = arith.muli %arg0, %mul3A_42 : i32
    %add3A_44 = arith.constant 3 : i32
    %add3A_45 = arith.addi %mul3A_43, %add3A_44 : i32
    %dma_start3A_46 = arith.constant 0 : i32
    %dma_start3A_47 = tpu.memref_slice %arg4[%add3A_45, %mul3A_12, %dma_start3A_46] : memref<16x1024x512xf32, #tpu.memory_space<hbm>> -> memref<1x64x512xf32, #tpu.memory_space<hbm>>
    %dma_start3A_48 = tpu.memref_squeeze %dma_start3A_47 : memref<1x64x512xf32, #tpu.memory_space<hbm>> -> memref<64x512xf32, #tpu.memory_space<hbm>>
    %dma_start3A_49 = arith.constant 0 : i32
    %dma_start3A_50 = tpu.memref_slice %arg4[%add3A_45, %mul3A_12, %dma_start3A_49] : memref<16x1024x512xf32, #tpu.memory_space<hbm>> -> memref<1x64x512xf32, #tpu.memory_space<hbm>>
    %dma_start3A_51 = tpu.memref_squeeze %dma_start3A_50 : memref<1x64x512xf32, #tpu.memory_space<hbm>> -> memref<64x512xf32, #tpu.memory_space<hbm>>
    tpu.enqueue_dma source(%arg5 : memref<64x512xf32, #tpu.memory_space<vmem>>) target(%dma_start3A_51 : memref<64x512xf32, #tpu.memory_space<hbm>>) target_semaphore(%arg6 : memref<!tpu.dma_semaphore, #tpu.memory_space<semaphore_mem>>)
    %mul3A_52 = arith.constant 8 : i32
    %mul3A_53 = arith.muli %arg0, %mul3A_52 : i32
    %add3A_54 = arith.constant 4 : i32
    %add3A_55 = arith.addi %mul3A_53, %add3A_54 : i32
    %dma_start3A_56 = arith.constant 0 : i32
    %dma_start3A_57 = tpu.memref_slice %arg4[%add3A_55, %mul3A_12, %dma_start3A_56] : memref<16x1024x512xf32, #tpu.memory_space<hbm>> -> memref<1x64x512xf32, #tpu.memory_space<hbm>>
    %dma_start3A_58 = tpu.memref_squeeze %dma_start3A_57 : memref<1x64x512xf32, #tpu.memory_space<hbm>> -> memref<64x512xf32, #tpu.memory_space<hbm>>
    %dma_start3A_59 = arith.constant 0 : i32
    %dma_start3A_60 = tpu.memref_slice %arg4[%add3A_55, %mul3A_12, %dma_start3A_59] : memref<16x1024x512xf32, #tpu.memory_space<hbm>> -> memref<1x64x512xf32, #tpu.memory_space<hbm>>
    %dma_start3A_61 = tpu.memref_squeeze %dma_start3A_60 : memref<1x64x512xf32, #tpu.memory_space<hbm>> -> memref<64x512xf32, #tpu.memory_space<hbm>>
    tpu.enqueue_dma source(%arg5 : memref<64x512xf32, #tpu.memory_space<vmem>>) target(%dma_start3A_61 : memref<64x512xf32, #tpu.memory_space<hbm>>) target_semaphore(%arg6 : memref<!tpu.dma_semaphore, #tpu.memory_space<semaphore_mem>>)
    %mul3A_62 = arith.constant 8 : i32
    %mul3A_63 = arith.muli %arg0, %mul3A_62 : i32
    %add3A_64 = arith.constant 5 : i32
    %add3A_65 = arith.addi %mul3A_63, %add3A_64 : i32
    %dma_start3A_66 = arith.constant 0 : i32
    %dma_start3A_67 = tpu.memref_slice %arg4[%add3A_65, %mul3A_12, %dma_start3A_66] : memref<16x1024x512xf32, #tpu.memory_space<hbm>> -> memref<1x64x512xf32, #tpu.memory_space<hbm>>
    %dma_start3A_68 = tpu.memref_squeeze %dma_start3A_67 : memref<1x64x512xf32, #tpu.memory_space<hbm>> -> memref<64x512xf32, #tpu.memory_space<hbm>>
    %dma_start3A_69 = arith.constant 0 : i32
    %dma_start3A_70 = tpu.memref_slice %arg4[%add3A_65, %mul3A_12, %dma_start3A_69] : memref<16x1024x512xf32, #tpu.memory_space<hbm>> -> memref<1x64x512xf32, #tpu.memory_space<hbm>>
    %dma_start3A_71 = tpu.memref_squeeze %dma_start3A_70 : memref<1x64x512xf32, #tpu.memory_space<hbm>> -> memref<64x512xf32, #tpu.memory_space<hbm>>
    tpu.enqueue_dma source(%arg5 : memref<64x512xf32, #tpu.memory_space<vmem>>) target(%dma_start3A_71 : memref<64x512xf32, #tpu.memory_space<hbm>>) target_semaphore(%arg6 : memref<!tpu.dma_semaphore, #tpu.memory_space<semaphore_mem>>)
    %mul3A_72 = arith.constant 8 : i32
    %mul3A_73 = arith.muli %arg0, %mul3A_72 : i32
    %add3A_74 = arith.constant 6 : i32
    %add3A_75 = arith.addi %mul3A_73, %add3A_74 : i32
    %dma_start3A_76 = arith.constant 0 : i32
    %dma_start3A_77 = tpu.memref_slice %arg4[%add3A_75, %mul3A_12, %dma_start3A_76] : memref<16x1024x512xf32, #tpu.memory_space<hbm>> -> memref<1x64x512xf32, #tpu.memory_space<hbm>>
    %dma_start3A_78 = tpu.memref_squeeze %dma_start3A_77 : memref<1x64x512xf32, #tpu.memory_space<hbm>> -> memref<64x512xf32, #tpu.memory_space<hbm>>
    %dma_start3A_79 = arith.constant 0 : i32
    %dma_start3A_80 = tpu.memref_slice %arg4[%add3A_75, %mul3A_12, %dma_start3A_79] : memref<16x1024x512xf32, #tpu.memory_space<hbm>> -> memref<1x64x512xf32, #tpu.memory_space<hbm>>
    %dma_start3A_81 = tpu.memref_squeeze %dma_start3A_80 : memref<1x64x512xf32, #tpu.memory_space<hbm>> -> memref<64x512xf32, #tpu.memory_space<hbm>>
    tpu.enqueue_dma source(%arg5 : memref<64x512xf32, #tpu.memory_space<vmem>>) target(%dma_start3A_81 : memref<64x512xf32, #tpu.memory_space<hbm>>) target_semaphore(%arg6 : memref<!tpu.dma_semaphore, #tpu.memory_space<semaphore_mem>>)
    %mul3A_82 = arith.constant 8 : i32
    %mul3A_83 = arith.muli %arg0, %mul3A_82 : i32
    %add3A_84 = arith.constant 7 : i32
    %add3A_85 = arith.addi %mul3A_83, %add3A_84 : i32
    %dma_start3A_86 = arith.constant 0 : i32
    %dma_start3A_87 = tpu.memref_slice %arg4[%add3A_85, %mul3A_12, %dma_start3A_86] : memref<16x1024x512xf32, #tpu.memory_space<hbm>> -> memref<1x64x512xf32, #tpu.memory_space<hbm>>
    %dma_start3A_88 = tpu.memref_squeeze %dma_start3A_87 : memref<1x64x512xf32, #tpu.memory_space<hbm>> -> memref<64x512xf32, #tpu.memory_space<hbm>>
    %dma_start3A_89 = arith.constant 0 : i32
    %dma_start3A_90 = tpu.memref_slice %arg4[%add3A_85, %mul3A_12, %dma_start3A_89] : memref<16x1024x512xf32, #tpu.memory_space<hbm>> -> memref<1x64x512xf32, #tpu.memory_space<hbm>>
    %dma_start3A_91 = tpu.memref_squeeze %dma_start3A_90 : memref<1x64x512xf32, #tpu.memory_space<hbm>> -> memref<64x512xf32, #tpu.memory_space<hbm>>
    tpu.enqueue_dma source(%arg5 : memref<64x512xf32, #tpu.memory_space<vmem>>) target(%dma_start3A_91 : memref<64x512xf32, #tpu.memory_space<hbm>>) target_semaphore(%arg6 : memref<!tpu.dma_semaphore, #tpu.memory_space<semaphore_mem>>)
    %dma_wait3A = arith.constant 0 : i32
    %dma_wait3A_92 = tpu.memref_slice %arg4[%add3A_16, %mul3A_12, %dma_wait3A] : memref<16x1024x512xf32, #tpu.memory_space<hbm>> -> memref<1x64x512xf32, #tpu.memory_space<hbm>>
    %dma_wait3A_93 = tpu.memref_squeeze %dma_wait3A_92 : memref<1x64x512xf32, #tpu.memory_space<hbm>> -> memref<64x512xf32, #tpu.memory_space<hbm>>
    %dma_wait3A_94 = arith.constant 0 : i32
    %dma_wait3A_95 = tpu.memref_slice %arg4[%add3A_16, %mul3A_12, %dma_wait3A_94] : memref<16x1024x512xf32, #tpu.memory_space<hbm>> -> memref<1x64x512xf32, #tpu.memory_space<hbm>>
    %dma_wait3A_96 = tpu.memref_squeeze %dma_wait3A_95 : memref<1x64x512xf32, #tpu.memory_space<hbm>> -> memref<64x512xf32, #tpu.memory_space<hbm>>
    tpu.wait_dma2 semaphore(%arg6 : memref<!tpu.dma_semaphore, #tpu.memory_space<semaphore_mem>>) src(%arg5 : memref<64x512xf32, #tpu.memory_space<vmem>>) dst(%dma_wait3A_96 : memref<64x512xf32, #tpu.memory_space<hbm>>)
    %dma_wait3A_97 = arith.constant 0 : i32
    %dma_wait3A_98 = tpu.memref_slice %arg4[%add3A_25, %mul3A_12, %dma_wait3A_97] : memref<16x1024x512xf32, #tpu.memory_space<hbm>> -> memref<1x64x512xf32, #tpu.memory_space<hbm>>
    %dma_wait3A_99 = tpu.memref_squeeze %dma_wait3A_98 : memref<1x64x512xf32, #tpu.memory_space<hbm>> -> memref<64x512xf32, #tpu.memory_space<hbm>>
    %dma_wait3A_100 = arith.constant 0 : i32
    %dma_wait3A_101 = tpu.memref_slice %arg4[%add3A_25, %mul3A_12, %dma_wait3A_100] : memref<16x1024x512xf32, #tpu.memory_space<hbm>> -> memref<1x64x512xf32, #tpu.memory_space<hbm>>
    %dma_wait3A_102 = tpu.memref_squeeze %dma_wait3A_101 : memref<1x64x512xf32, #tpu.memory_space<hbm>> -> memref<64x512xf32, #tpu.memory_space<hbm>>
    tpu.wait_dma2 semaphore(%arg6 : memref<!tpu.dma_semaphore, #tpu.memory_space<semaphore_mem>>) src(%arg5 : memref<64x512xf32, #tpu.memory_space<vmem>>) dst(%dma_wait3A_102 : memref<64x512xf32, #tpu.memory_space<hbm>>)
    %dma_wait3A_103 = arith.constant 0 : i32
    %dma_wait3A_104 = tpu.memref_slice %arg4[%add3A_35, %mul3A_12, %dma_wait3A_103] : memref<16x1024x512xf32, #tpu.memory_space<hbm>> -> memref<1x64x512xf32, #tpu.memory_space<hbm>>
    %dma_wait3A_105 = tpu.memref_squeeze %dma_wait3A_104 : memref<1x64x512xf32, #tpu.memory_space<hbm>> -> memref<64x512xf32, #tpu.memory_space<hbm>>
    %dma_wait3A_106 = arith.constant 0 : i32
    %dma_wait3A_107 = tpu.memref_slice %arg4[%add3A_35, %mul3A_12, %dma_wait3A_106] : memref<16x1024x512xf32, #tpu.memory_space<hbm>> -> memref<1x64x512xf32, #tpu.memory_space<hbm>>
    %dma_wait3A_108 = tpu.memref_squeeze %dma_wait3A_107 : memref<1x64x512xf32, #tpu.memory_space<hbm>> -> memref<64x512xf32, #tpu.memory_space<hbm>>
    tpu.wait_dma2 semaphore(%arg6 : memref<!tpu.dma_semaphore, #tpu.memory_space<semaphore_mem>>) src(%arg5 : memref<64x512xf32, #tpu.memory_space<vmem>>) dst(%dma_wait3A_108 : memref<64x512xf32, #tpu.memory_space<hbm>>)
    %dma_wait3A_109 = arith.constant 0 : i32
    %dma_wait3A_110 = tpu.memref_slice %arg4[%add3A_45, %mul3A_12, %dma_wait3A_109] : memref<16x1024x512xf32, #tpu.memory_space<hbm>> -> memref<1x64x512xf32, #tpu.memory_space<hbm>>
    %dma_wait3A_111 = tpu.memref_squeeze %dma_wait3A_110 : memref<1x64x512xf32, #tpu.memory_space<hbm>> -> memref<64x512xf32, #tpu.memory_space<hbm>>
    %dma_wait3A_112 = arith.constant 0 : i32
    %dma_wait3A_113 = tpu.memref_slice %arg4[%add3A_45, %mul3A_12, %dma_wait3A_112] : memref<16x1024x512xf32, #tpu.memory_space<hbm>> -> memref<1x64x512xf32, #tpu.memory_space<hbm>>
    %dma_wait3A_114 = tpu.memref_squeeze %dma_wait3A_113 : memref<1x64x512xf32, #tpu.memory_space<hbm>> -> memref<64x512xf32, #tpu.memory_space<hbm>>
    tpu.wait_dma2 semaphore(%arg6 : memref<!tpu.dma_semaphore, #tpu.memory_space<semaphore_mem>>) src(%arg5 : memref<64x512xf32, #tpu.memory_space<vmem>>) dst(%dma_wait3A_114 : memref<64x512xf32, #tpu.memory_space<hbm>>)
    %dma_wait3A_115 = arith.constant 0 : i32
    %dma_wait3A_116 = tpu.memref_slice %arg4[%add3A_55, %mul3A_12, %dma_wait3A_115] : memref<16x1024x512xf32, #tpu.memory_space<hbm>> -> memref<1x64x512xf32, #tpu.memory_space<hbm>>
    %dma_wait3A_117 = tpu.memref_squeeze %dma_wait3A_116 : memref<1x64x512xf32, #tpu.memory_space<hbm>> -> memref<64x512xf32, #tpu.memory_space<hbm>>
    %dma_wait3A_118 = arith.constant 0 : i32
    %dma_wait3A_119 = tpu.memref_slice %arg4[%add3A_55, %mul3A_12, %dma_wait3A_118] : memref<16x1024x512xf32, #tpu.memory_space<hbm>> -> memref<1x64x512xf32, #tpu.memory_space<hbm>>
    %dma_wait3A_120 = tpu.memref_squeeze %dma_wait3A_119 : memref<1x64x512xf32, #tpu.memory_space<hbm>> -> memref<64x512xf32, #tpu.memory_space<hbm>>
    tpu.wait_dma2 semaphore(%arg6 : memref<!tpu.dma_semaphore, #tpu.memory_space<semaphore_mem>>) src(%arg5 : memref<64x512xf32, #tpu.memory_space<vmem>>) dst(%dma_wait3A_120 : memref<64x512xf32, #tpu.memory_space<hbm>>)
    %dma_wait3A_121 = arith.constant 0 : i32
    %dma_wait3A_122 = tpu.memref_slice %arg4[%add3A_65, %mul3A_12, %dma_wait3A_121] : memref<16x1024x512xf32, #tpu.memory_space<hbm>> -> memref<1x64x512xf32, #tpu.memory_space<hbm>>
    %dma_wait3A_123 = tpu.memref_squeeze %dma_wait3A_122 : memref<1x64x512xf32, #tpu.memory_space<hbm>> -> memref<64x512xf32, #tpu.memory_space<hbm>>
    %dma_wait3A_124 = arith.constant 0 : i32
    %dma_wait3A_125 = tpu.memref_slice %arg4[%add3A_65, %mul3A_12, %dma_wait3A_124] : memref<16x1024x512xf32, #tpu.memory_space<hbm>> -> memref<1x64x512xf32, #tpu.memory_space<hbm>>
    %dma_wait3A_126 = tpu.memref_squeeze %dma_wait3A_125 : memref<1x64x512xf32, #tpu.memory_space<hbm>> -> memref<64x512xf32, #tpu.memory_space<hbm>>
    tpu.wait_dma2 semaphore(%arg6 : memref<!tpu.dma_semaphore, #tpu.memory_space<semaphore_mem>>) src(%arg5 : memref<64x512xf32, #tpu.memory_space<vmem>>) dst(%dma_wait3A_126 : memref<64x512xf32, #tpu.memory_space<hbm>>)
    %dma_wait3A_127 = arith.constant 0 : i32
    %dma_wait3A_128 = tpu.memref_slice %arg4[%add3A_75, %mul3A_12, %dma_wait3A_127] : memref<16x1024x512xf32, #tpu.memory_space<hbm>> -> memref<1x64x512xf32, #tpu.memory_space<hbm>>
    %dma_wait3A_129 = tpu.memref_squeeze %dma_wait3A_128 : memref<1x64x512xf32, #tpu.memory_space<hbm>> -> memref<64x512xf32, #tpu.memory_space<hbm>>
    %dma_wait3A_130 = arith.constant 0 : i32
    %dma_wait3A_131 = tpu.memref_slice %arg4[%add3A_75, %mul3A_12, %dma_wait3A_130] : memref<16x1024x512xf32, #tpu.memory_space<hbm>> -> memref<1x64x512xf32, #tpu.memory_space<hbm>>
    %dma_wait3A_132 = tpu.memref_squeeze %dma_wait3A_131 : memref<1x64x512xf32, #tpu.memory_space<hbm>> -> memref<64x512xf32, #tpu.memory_space<hbm>>
    tpu.wait_dma2 semaphore(%arg6 : memref<!tpu.dma_semaphore, #tpu.memory_space<semaphore_mem>>) src(%arg5 : memref<64x512xf32, #tpu.memory_space<vmem>>) dst(%dma_wait3A_132 : memref<64x512xf32, #tpu.memory_space<hbm>>)
    %dma_wait3A_133 = arith.constant 0 : i32
    %dma_wait3A_134 = tpu.memref_slice %arg4[%add3A_85, %mul3A_12, %dma_wait3A_133] : memref<16x1024x512xf32, #tpu.memory_space<hbm>> -> memref<1x64x512xf32, #tpu.memory_space<hbm>>
    %dma_wait3A_135 = tpu.memref_squeeze %dma_wait3A_134 : memref<1x64x512xf32, #tpu.memory_space<hbm>> -> memref<64x512xf32, #tpu.memory_space<hbm>>
    %dma_wait3A_136 = arith.constant 0 : i32
    %dma_wait3A_137 = tpu.memref_slice %arg4[%add3A_85, %mul3A_12, %dma_wait3A_136] : memref<16x1024x512xf32, #tpu.memory_space<hbm>> -> memref<1x64x512xf32, #tpu.memory_space<hbm>>
    %dma_wait3A_138 = tpu.memref_squeeze %dma_wait3A_137 : memref<1x64x512xf32, #tpu.memory_space<hbm>> -> memref<64x512xf32, #tpu.memory_space<hbm>>
    tpu.wait_dma2 semaphore(%arg6 : memref<!tpu.dma_semaphore, #tpu.memory_space<semaphore_mem>>) src(%arg5 : memref<64x512xf32, #tpu.memory_space<vmem>>) dst(%dma_wait3A_138 : memref<64x512xf32, #tpu.memory_space<hbm>>)
    return
  }
}

</mosaic_0001>

<sc_bundles>
// kernel: kernel.3.cloned.1.call-start
scs
__scs_entry_jumppad:
0x0: {  	(pc) =	sbr.rel $0x88, $3  }
0x1: {  	(tag) =	ssettag $0x0;
	lr =	simm.s32 $0x1  }
0x2: {  	[smem:$0x3F9F] =	sst lr;
	_ =	strace $0xD0000000  }
0x3: {  	_ = 	snop  }
0x4: {  	_ = 	snop  }
0x5: {  	_ = 	snop  }
0x6: {  	_ = 	snop  }
0x7: {  	_ = 	snop  }
__scs_overlays_trampoline_lowered:
0x8: {  	[smem:$0x3FAE] =	sst s0  }
0x9: {  	[smem:$0x3FAF] =	sst s1  }
0xa: {  	[smem:$0x3FB0] =	sst s2  }
0xb: {  	[smem:$0x3FB1] =	sst s3  }
0xc: {  	[smem:$0x3FB2] =	sst s4  }
0xd: {  	[smem:$0x3FB3] =	sst s5  }
0xe: {  	[smem:$0x3FB4] =	sst s6  }
0xf: {  	[smem:$0x3FB5] =	sst s7  }
0x10: {  	[smem:$0x3FB6] =	sst s8  }
0x11: {  	[smem:$0x3FB7] =	sst s9;
	s0 =	simm.s32 @!p0 $0x0  }
0x12: {  	s1 =	sld [smem:$0x3F9D];
	s0 =	simm.s32 @p0 $0x1  }
0x13: {  	[smem:$0x3FB8] =	sst s0;
	s0 =	simm.s32 @!p1 $0x0  }
0x14: {  	s2 =	sld [smem:$0x3F9C];
	s0 =	simm.s32 @p1 $0x1  }
0x15: {  	[smem:$0x3FB9] =	sst s0;
	s0 =	simm.s32 @!p2 $0x0  }
0x16: {  	s3 =	sld [smem:$0x3FDB];
	s0 =	simm.s32 @p2 $0x1  }
0x17: {  	s4 =	simm.s32 $0x1BF5;
	[smem:$0x3FBB] =	sst s0  }
0x18: {  	s0 =	sld [smem:$0x3F9E];
	_ =	swait.ge [sflag:s4], $0x0  }
0x19: {  	s7 =	sld [smem:$0x3F9F]  }
0x1a: {  	s8 =	sadd.s32 $0xFFFFE003, lr  }
0x1b: {  	s9 =	sadd.s32 $0xFFFFFEF7, lr;
	s5 =	simm.s32 $0xFFFFFFFF;
	p2 =	slt.u32 s8, $0xFFFFF086  }
0x1c: {  	p1 =	slt.u32 s9, $0xF7A;
	s5 =	simm.s32 @!p2 $0x0  }
0x1d: {  	s5 =	simm.s32 @p1 $0x1;
	p0 =	seq.s32 s7, s2  }
0x1e: {  	s7 =	smul.u32 @!p0 $0xF7A, s2;
	p2 =	seq.s32 @!p0 s5, $0x0  }
0x1f: {  	s9 =	smul.u32 $0xF7A, s1;
	s8 =	simm.s32 @!p0 $0x1BF5;
	p2 =	por !p2, p0  }
0x20: {  	[sflag:s8] =	ssyncset.s32 @!p0 $0xFFFFF086;
	s6 =	sadd.s32 @!p0 s3, s7;
	s7 =	simm.s32 @!p0 $0x108  }
0x21: {  	s3 =	sadd.s32 s3, s9;
	s6 =	sadd.s32 @!p0 $0x88, s6;
	s7 =	simm.s32 @p2 $0x1082  }
0x22: {  	[simem:s7], [sflag:s8] =	dma.local @!p0 [hbm:s6], $0xF7A  }
0x23: {  	s9 =	sor.u32 $0xD0000000, s2;
	s6 =	simm.s32 $0x108;
	_ =	swait.ge @!p0 [sflag:s8], $0x0  }
0x24: {  	s3 =	sadd.s32 $0x88, s3;
	s6 =	simm.s32 @!p1 $0x1082;
	[sflag:s4] =	ssyncset.s32 $0xFFFFF086  }
0x25: {  	[simem:s6], [sflag:s4] =	dma.local [hbm:s3], $0xF7A  }
0x26: {  	[smem:$0x3F9F] =	sst s1;
	(tag) =	ssettag s2;
	_ =	strace s9  }
0x27: {  	s1 =	sld [smem:$0x3FAF]  }
0x28: {  	s2 =	sld [smem:$0x3FB0]  }
0x29: {  	s4 =	sld [smem:$0x3FB2]  }
0x2a: {  	p0 =	seq.s32 s5, $0x0;
	s5 =	sld [smem:$0x3FB3]  }
0x2b: {  	s6 =	sld [smem:$0x3FB4]  }
0x2c: {  	s7 =	sld [smem:$0x3FB5]  }
0x2d: {  	s3 =	simm.s32 $0x108;
	s8 =	sld [smem:$0x3FB6]  }
0x2e: {  	s3 =	simm.s32 @!p0 $0x1082;
	s9 =	sld [smem:$0x3FB7]  }
0x2f: {  	lr =	sadd.s32 s0, s3;
	s0 =	sld [smem:$0x3FAE]  }
0x30: {  	s3 =	sld [smem:$0x3FB1]  }
0x31: {  	[smem:$0x3FBA] =	sst s10  }
0x32: {  	s10 =	sld [smem:$0x3FB8];
	_ =	sdelay $0x3  }
0x33: {  	p0 =	seq.s32 s10, $0x1;
	s10 =	sld [smem:$0x3FBA];
	_ =	sdelay $0x3  }
0x34: {  	[smem:$0x3FBA] =	sst s10  }
0x35: {  	s10 =	sld [smem:$0x3FB9];
	_ =	sdelay $0x3  }
0x36: {  	p1 =	seq.s32 s10, $0x1;
	s10 =	sld [smem:$0x3FBA];
	_ =	sdelay $0x3  }
0x37: {  	[smem:$0x3FBA] =	sst s10  }
0x38: {  	s10 =	sld [smem:$0x3FBB]  }
0x39: {  	_ = 	snop;
	(pc) =	sbr.ind lr, $3  }
0x3a: {  	_ = 	snop  }
0x3b: {  	_ = 	snop  }
0x3c: {  	p2 =	seq.s32 s10, $0x1;
	s10 =	sld [smem:$0x3FBA]  }
0x3d: {  	_ =	shalt  }
0x3e: {  	_ =	shalt  }
0x3f: {  	_ =	shalt  }
0x40: {  	_ =	shalt  }
0x41: {  	_ =	shalt  }
0x42: {  	_ =	shalt  }
0x43: {  	_ =	shalt  }
0x44: {  	_ =	shalt  }
0x45: {  	_ =	shalt  }
0x46: {  	_ =	shalt  }
0x47: {  	_ =	shalt  }
0x48: {  	_ =	shalt  }
0x49: {  	_ =	shalt  }
0x4a: {  	_ =	shalt  }
0x4b: {  	_ =	shalt  }
0x4c: {  	_ =	shalt  }
0x4d: {  	_ =	shalt  }
0x4e: {  	_ =	shalt  }
0x4f: {  	_ =	shalt  }
0x50: {  	_ =	shalt  }
0x51: {  	_ =	shalt  }
0x52: {  	_ =	shalt  }
0x53: {  	_ =	shalt  }
0x54: {  	_ =	shalt  }
0x55: {  	_ =	shalt  }
0x56: {  	_ =	shalt  }
0x57: {  	_ =	shalt  }
0x58: {  	_ =	shalt  }
0x59: {  	_ =	shalt  }
0x5a: {  	_ =	shalt  }
0x5b: {  	_ =	shalt  }
0x5c: {  	_ =	shalt  }
0x5d: {  	_ =	shalt  }
0x5e: {  	_ =	shalt  }
0x5f: {  	_ =	shalt  }
0x60: {  	_ =	shalt  }
0x61: {  	_ =	shalt  }
0x62: {  	_ =	shalt  }
0x63: {  	_ =	shalt  }
0x64: {  	_ =	shalt  }
0x65: {  	_ =	shalt  }
0x66: {  	_ =	shalt  }
0x67: {  	_ =	shalt  }
0x68: {  	_ =	shalt  }
0x69: {  	_ =	shalt  }
0x6a: {  	_ =	shalt  }
0x6b: {  	_ =	shalt  }
0x6c: {  	_ =	shalt  }
0x6d: {  	_ =	shalt  }
0x6e: {  	_ =	shalt  }
0x6f: {  	_ =	shalt  }
0x70: {  	_ =	shalt  }
0x71: {  	_ =	shalt  }
0x72: {  	_ =	shalt  }
0x73: {  	_ =	shalt  }
0x74: {  	_ =	shalt  }
0x75: {  	_ =	shalt  }
0x76: {  	_ =	shalt  }
0x77: {  	_ =	shalt  }
0x78: {  	_ =	shalt  }
0x79: {  	_ =	shalt  }
0x7a: {  	_ =	shalt  }
0x7b: {  	_ =	shalt  }
0x7c: {  	_ =	shalt  }
0x7d: {  	_ =	shalt  }
0x7e: {  	_ =	shalt  }
0x7f: {  	_ =	shalt  }
0x80: {  	_ =	shalt  }
0x81: {  	_ =	shalt  }
0x82: {  	_ =	shalt  }
0x83: {  	_ =	shalt  }
0x84: {  	_ =	shalt  }
0x85: {  	_ =	shalt  }
0x86: {  	_ =	shalt  }
0x87: {  	_ =	shalt  }
.Lfunc_end0:
.L_simem_size_0:
called_computation_lowered:
.L_overlay_start_0:
0x88: {  	s2 =	sld [smem:$0x3FD9]  }
0x89: {  	s3 =	sld [smem:$0x3FFE];
	_ =	sdelay $0x1  }
0x8a: {  	s1 =	srdreg.scid  }
0x8b: {  	s0 =	sand.u32 $0x1, s1  }
0x8c: {  	s18 =	sshll.u32 s0, $0xA;
	s2 =	sadd.s32 s3, s2  }
0x8d: {  	s2 =	sadd.s32 s2, s18  }
0x8e: {  	[smem:$0x3FC6] =	sst s2  }
0x8f: {  	_ = 	snop  }
0x90: {  	s2 =	sld [smem:$0x3FC9]  }
0x91: {  	s19 =	sld [smem:$0x3FC8]  }
0x92: {  	s4 =	sld [smem:$0x3FD0];
	(tm) =	ssettm $0x1  }
0x93: {  	s5 =	sld [smem:$0x3FFB];
	_ =	sdelay $0x3  }
0x94: {  	_ =	strace s5  }
0x95: {  	s5 =	sld [smem:$0x3FFC];
	_ =	sdelay $0x3  }
0x96: {  	_ =	strace s5  }
0x97: {  	s5 =	sld [smem:$0x3FFD];
	_ =	sdelay $0x3  }
0x98: {  	_ =	strace s5  }
0x99: {  	_ =	strace $0x8FFFFFFF  }
0x9a: {  	s20 =	sld [smem:$0x3FDB];
	_ =	sdelay $0x1  }
0x9b: {  	s6 =	simm.s32 $_scs_section_size  }
0x9c: {  	s7 =	simm.s32 $_size__tile_overlayer_lowered;
	s8 =	simm.s32 $_tile_overlayer_lowered  }
0x9d: {  	s23 =	simm.s32 $0x1BFF;
	s22 =	sshll.u32 s8, $0x1;
	s5 =	sadd.s32 s6, s20  }
0x9e: {  	s9 =	simm.s32 $0x0;
	s21 =	sshll.u32 s7, $0x1;
	s7 =	sadd.s32 s22, s5  }
0x9f: {  	[timem:s9], [sflag:s23] =	dma.local [hbm:s7], s21  }
0xa0: {  	_ =	swait.ge [sflag:s23], s21  }
0xa1: {  	s6 =	ssub.s32 $0x0, s21;
	[sflag:s23] =	ssyncset.done $0x0  }
0xa2: {  	[sflag:s23] =	ssyncadd.s32 s6;
	_ =	sdelay $0x1  }
0xa3: {  	s24 =	simm.s32 $0x1B8B  }
0xa4: {  	_ =	swait.ge [sflag:s24], $0x1  }
0xa5: {  	[sflag:s24] =	ssyncset.done $0x0  }
0xa6: {  	s25 =	simm.s32 $0x1B8E;
	[sflag:s24] =	ssyncadd.s32 $0xFFFFFFFF  }
0xa7: {  	s26 =	simm.s32 $execute0_lowered;
	[smem:$0x3FD2] =	sst s25  }
0xa8: {  	s6 =	sshll.u32 s26, $0x1;
	_ =	strace $0x80000046;
	[dreg:$0x1] =	wrdreg $0xFFFFFFFF  }
0xa9: {  	s28 =	simm.s32 $_size_execute0_lowered;
	s5 =	sadd.s32 s5, s6;
	[dreg:$0x0] =	wrdreg $0x0  }
0xaa: {  	s6 =	sshll.u32 s28, $0x1;
	[dreg:$0x2] =	wrdreg s5  }
0xab: {  	[dreg:$0x3] =	wrdreg s6  }
0xac: {  	[dreg:$0x4] =	wrdreg $0xC0  }
0xad: {  	_ =	task [dreg:s9], $0x5FFFF  }
0xae: {  	[dreg:$0x1] =	wrdreg $0xFFFFFFFF  }
0xaf: {  	[dreg:$0x0] =	wrdreg $0x60  }
0xb0: {  	[dreg:$0x2] =	wrdreg s2  }
0xb1: {  	[dreg:$0x3] =	wrdreg s19  }
0xb2: {  	[dreg:$0x4] =	wrdreg s4  }
0xb3: {  	[dreg:$0x5] =	wrdreg $0x9  }
0xb4: {  	_ =	task.clear_ibuf [dreg:s9], $0x6FFFF;
	_ =	strace $0x90000046  }
0xb5: {  	s29 =	simm.s32 $0x9;
	_ =	strace $0x80000048  }
0xb6: {  	_ =	swait.ge [sflag:s29], $0x1  }
0xb7: {  	[sflag:s29] =	ssyncadd.s32 $0xFFFFFFFF  }
0xb8: {  	_ =	strace $0x90000048  }
0xb9: {  	_ =	sfence  }
0xba: {  	s30 =	sld [smem:$0x0];
	_ =	sdelay $0x2  }
0xbb: {  	s31 =	sshll.u32 s1, $0xD;
	s1 =	sshrl.u32 s1, $0x2  }
0xbc: {  	s3 =	sand.u32 $0x4000, s31;
	s1 =	sadd.s32 s1, s30  }
0xbd: {  	s0 =	sor.u32 s3, s0;
	s1 =	sshll.u32 s1, $0x11  }
0xbe: {  	s0 =	sor.u32 s1, s0  }
0xbf: {  	s0 =	sadd.s32 $0x8F2B, s0  }
0xc0: {  	[sflag:s0] =	ssyncadd.remote.s32 $0x1  }
0xc1: {  	_ =	sfence.sel $0xFFFF  }
0xc2: {  	[dreg:$0x0] =	wrdreg $0xFFFFFFFF;
	(pc) =	sbr.abs _section_cstart, $3  }
0xc3: {  	[dreg:$0x1] =	wrdreg $0xFFFFFFFF  }
0xc4: {  	_ =	task.clear_ibuf [dreg:s9], $0x2FFFF;
	_ =	strace $0x9FFFFFFF  }
0xc5: {  	(tm) =	ssettm $0x7FFFFFFF  }
tec
execute0_lowered:
.L_overlay_start_1:
0x0: {  	(tag) =	ssettag $0x1  }
0x1: {  	s1 =	rddreg [dreg:$0x0]  }
0x2: {  	s2 =	srdreg.scid;
	s3 =	rddreg [dreg:$0x1]  }
0x3: {  	s0 =	stileid.u32;
	s4 =	simm.s32 $0x0;
	s2 =	sand.u32 $0x1, s2  }
0x4: {  	s7 =	sshll.u32 s0, $0xC;
	[smem:$0x7FF] =	sst s4;
	s6 =	sshll.u32 s2, $0x13  }
0x5: {  	s5 =	rddreg [dreg:$0x2];
	_ =	strace $0x80000047;
	s6 =	sor.u32 s7, s6  }
0x6: {  	[tilespmem:s4], [sflag:$0x2] =	stream.linear.gather [hbm4b:s3+s4], $0x800, $0x38;
	[tilespmem:$0x8000] =	vst v63  }
0x7: {  	s5 =	sadd.s32 s5, s6  }
0x8: {  	s26 =	simm.s32 $0x1000;
	s6 =	sadd.s32 $0x10000, s5  }
0x9: {  	s8 =	sadd.s32 $0x20000, s5;
	[dreg:$0x4] =	wrdreg s6;
	s6 =	sadd.s32 $0x100, s3  }
0xa: {  	[tilespmem:s26], [sflag:$0x2] =	stream.linear.gather [hbm4b:s6+s4], $0x800, $0x38;
	[tilespmem:$0x8000] =	vst v63  }
0xb: {  	s9 =	simm.s32 $0x2000;
	[dreg:$0x5] =	wrdreg s8;
	s8 =	sadd.s32 $0x200, s3  }
0xc: {  	[tilespmem:s9], [sflag:$0x2] =	stream.linear.gather [hbm4b:s8+s4], $0x800, $0x38;
	[tilespmem:$0x8000] =	vst v63  }
0xd: {  	s11 =	simm.s32 $0x3000;
	s12 =	simm.s32 $0x2;
	s10 =	sadd.s32 $0x300, s3  }
0xe: {  	[tilespmem:s11], [sflag:$0x2] =	stream.linear.gather [hbm4b:s10+s4], $0x800, $0x38;
	[tilespmem:$0x8000] =	vst v63  }
0xf: {  	_ =	swait.ge [sflag:s12], $0x2000  }
0x10: {  	s13 =	sshll.u32 s0, $0x1;
	[sflag:s12] =	ssyncset.done $0x0  }
0x11: {  	v0 =	vmov s13;
	s13 =	simm.s32 $0x4000;
	[sflag:s12] =	ssyncadd.s32 $0xFFFFE000  }
0x12: {  	v1 =	vshll.u32 v0, $0x1;
	[tilespmem:s13], [sflag:$0x2] =	stream.linear.gather [hbm4b:s3+s4], $0x800, $0x38;
	[tilespmem:$0x8000] =	vst v63  }
0x13: {  	s14 =	simm.s32 $0x5000;
	v2 =	vlaneseq.u32;
	v0 =	vand.u32 $0x6, v0;
	v1 =	vand.u32 $0x30, v1  }
0x14: {  	v3 =	vand.u32 $0x7, v2;
	v1 =	vor.u32 v0, v1;
	v0 =	vshrl.u32 v2, $0x3;
	[tilespmem:s14], [sflag:$0x2] =	stream.linear.gather [hbm4b:s6+s4], $0x800, $0x38;
	[tilespmem:$0x8000] =	vst v63  }
0x15: {  	s15 =	simm.s32 $0x6000;
	v4 =	vperm.xlane v1, v3;
	v5 =	vmul.u32 $0x8, v0  }
0x16: {  	v6 =	vor.u32 $0x8, v2;
	[tilespmem:s15], [sflag:$0x2] =	stream.linear.gather [hbm4b:s8+s4], $0x800, $0x38;
	[tilespmem:$0x8000] =	vst v63  }
0x17: {  	s16 =	simm.s32 $0x7000;
	v1 =	vperm.xlane v1, v6;
	v0 =	vadd.s32 v5, v4  }
0x18: {  	[tilespmem:s16], [sflag:$0x2] =	stream.linear.gather [hbm4b:s10+s4], $0x800, $0x38;
	[tilespmem:$0x8000] =	vst v63  }
0x19: {  	v1 =	vadd.s32 v5, v1;
	_ =	swait.ge [sflag:s12], $0x2000  }
0x1a: {  	[sflag:s12] =	ssyncset.done $0x0  }
0x1b: {  	vm0 =	vmmov $0xffff;
	s17 =	simm.s32 $0x800;
	s18 =	sshllo.u32 s0, $0x1;
	[sflag:s12] =	ssyncadd.s32 $0xFFFFE000  }
0x1c: {  	[tilespmem:s17], [sflag:$0x2] =	stream.indirect_vreg.gather [hbm4b:s1+s4], $0x80, v0, vm0, $0xb8;
	[tilespmem:$0x8000] =	vst v63  }
0x1d: {  	v2 =	vmov s18;
	s18 =	simm.s32 $0x1800  }
0x1e: {  	v4 =	vshll.u32 v2, $0x1;
	[tilespmem:s18], [sflag:$0x2] =	stream.indirect_vreg.gather [hbm4b:s1+s4], $0x80, v1, vm0, $0xb8;
	[tilespmem:$0x8000] =	vst v63  }
0x1f: {  	v2 =	vand.u32 $0x7, v2;
	v4 =	vand.u32 $0x30, v4;
	_ =	swait.ge [sflag:s12], $0x1000  }
0x20: {  	v4 =	vor.u32 v2, v4;
	[sflag:s12] =	ssyncset.done $0x0  }
0x21: {  	s19 =	simm.s32 $0x2800;
	v2 =	vperm.xlane v4, v3;
	[sflag:s12] =	ssyncadd.s32 $0xFFFFF000  }
0x22: {  	[tilespmem:s19], [sflag:$0x2] =	stream.indirect_vreg.gather [hbm4b:s1+s4], $0x80, v0, vm0, $0xb8;
	[tilespmem:$0x8000] =	vst v63  }
0x23: {  	s20 =	simm.s32 $0x3800;
	v3 =	vperm.xlane v4, v6;
	v2 =	vadd.s32 v5, v2  }
0x24: {  	[tilespmem:s20], [sflag:$0x2] =	stream.indirect_vreg.gather [hbm4b:s1+s4], $0x80, v1, vm0, $0xb8;
	[tilespmem:$0x8000] =	vst v63  }
0x25: {  	v3 =	vadd.s32 v5, v3;
	_ =	swait.ge [sflag:s12], $0x1000  }
0x26: {  	[sflag:s12] =	ssyncset.done $0x0  }
0x27: {  	s21 =	simm.s32 $0x4800;
	[sflag:s12] =	ssyncadd.s32 $0xFFFFF000  }
0x28: {  	[tilespmem:s21], [sflag:$0x2] =	stream.indirect_vreg.gather [hbm4b:s1+s4], $0x80, v2, vm0, $0xb8;
	[tilespmem:$0x8000] =	vst v63  }
0x29: {  	s22 =	simm.s32 $0x5800  }
0x2a: {  	[tilespmem:s22], [sflag:$0x2] =	stream.indirect_vreg.gather [hbm4b:s1+s4], $0x80, v3, vm0, $0xb8;
	[tilespmem:$0x8000] =	vst v63  }
0x2b: {  	_ =	swait.ge [sflag:s12], $0x1000  }
0x2c: {  	[sflag:s12] =	ssyncset.done $0x0  }
0x2d: {  	s23 =	simm.s32 $0x6800;
	[sflag:s12] =	ssyncadd.s32 $0xFFFFF000  }
0x2e: {  	[tilespmem:s23], [sflag:$0x2] =	stream.indirect_vreg.gather [hbm4b:s1+s4], $0x80, v2, vm0, $0xb8;
	[tilespmem:$0x8000] =	vst v63  }
0x2f: {  	s24 =	simm.s32 $0x7800  }
0x30: {  	[tilespmem:s24], [sflag:$0x2] =	stream.indirect_vreg.gather [hbm4b:s1+s4], $0x80, v3, vm0, $0xb8;
	[tilespmem:$0x8000] =	vst v63  }
0x31: {  	_ =	swait.ge [sflag:s12], $0x1000  }
0x32: {  	[sflag:s12] =	ssyncset.done $0x0  }
0x33: {  	[sflag:s12] =	ssyncadd.s32 $0xFFFFF000  }
0x34: {  	[hbm4b:s5+s4] =	stream.linear.scatter [tilespmem:s4], [sflag:$0x1], $0x8000, $0x38;
	[tilespmem:$0x8000] =	vst v63  }
0x35: {  	s25 =	rddreg [dreg:$0x4]  }
0x36: {  	[hbm4b:s25+s4] =	stream.linear.scatter [tilespmem:s4], [sflag:$0x1], $0x8000, $0x38;
	[tilespmem:$0x8000] =	vst v63  }
0x37: {  	s26 =	rddreg [dreg:$0x5]  }
0x38: {  	[hbm4b:s26+s4] =	stream.linear.scatter [tilespmem:s4], [sflag:$0x1], $0x8000, $0x38;
	[tilespmem:$0x8000] =	vst v63  }
0x39: {  	s25 =	sadd.s32 $0x30000, s5  }
0x3a: {  	[hbm4b:s25+s4] =	stream.linear.scatter [tilespmem:s4], [sflag:$0x1], $0x8000, $0x38;
	[tilespmem:$0x8000] =	vst v63  }
0x3b: {  	s26 =	sadd.s32 $0x40000, s5  }
0x3c: {  	[hbm4b:s26+s4] =	stream.linear.scatter [tilespmem:s4], [sflag:$0x1], $0x8000, $0x38;
	[tilespmem:$0x8000] =	vst v63  }
0x3d: {  	s28 =	sadd.s32 $0x50000, s5  }
0x3e: {  	[hbm4b:s28+s4] =	stream.linear.scatter [tilespmem:s4], [sflag:$0x1], $0x8000, $0x38;
	[tilespmem:$0x8000] =	vst v63  }
0x3f: {  	s29 =	sadd.s32 $0x60000, s5  }
0x40: {  	[hbm4b:s29+s4] =	stream.linear.scatter [tilespmem:s4], [sflag:$0x1], $0x8000, $0x38;
	[tilespmem:$0x8000] =	vst v63  }
0x41: {  	s31 =	simm.s32 $0x1;
	s30 =	sadd.s32 $0x70000, s5  }
0x42: {  	[hbm4b:s30+s4] =	stream.linear.scatter [tilespmem:s4], [sflag:$0x1], $0x8000, $0x38;
	[tilespmem:$0x8000] =	vst v63  }
0x43: {  	_ =	swait.ge [sflag:s31], $0x8000  }
0x44: {  	[sflag:s31] =	ssyncset.done $0x0  }
0x45: {  	[sflag:s31] =	ssyncadd.s32 $0xFFFF8000  }
0x46: {  	_ =	swait.ge [sflag:s31], $0x8000  }
0x47: {  	[sflag:s31] =	ssyncset.done $0x0  }
0x48: {  	[sflag:s31] =	ssyncadd.s32 $0xFFFF8000  }
0x49: {  	_ =	swait.ge [sflag:s31], $0x8000  }
0x4a: {  	[sflag:s31] =	ssyncset.done $0x0  }
0x4b: {  	[sflag:s31] =	ssyncadd.s32 $0xFFFF8000  }
0x4c: {  	_ =	swait.ge [sflag:s31], $0x8000  }
0x4d: {  	[sflag:s31] =	ssyncset.done $0x0  }
0x4e: {  	[sflag:s31] =	ssyncadd.s32 $0xFFFF8000  }
0x4f: {  	_ =	swait.ge [sflag:s31], $0x8000  }
0x50: {  	s2 =	ssub.s32 $0x2, s2;
	[sflag:s31] =	ssyncset.done $0x0  }
0x51: {  	s7 =	sshrl.u32 s2, $0x1;
	[sflag:s31] =	ssyncadd.s32 $0xFFFF8000  }
0x52: {  	s0 =	ssub.s32 s2, s7;
	_ =	swait.ge [sflag:s31], $0x8000  }
0x53: {  	s0 =	smax.u32 s0, $0x1;
	[sflag:s31] =	ssyncset.done $0x0  }
0x54: {  	p0 =	sne.s32 s0, $0x1;
	[sflag:s31] =	ssyncadd.s32 $0xFFFF8000  }
.Ltmp0:
0x55: {  	_ =	swait.ge [sflag:s31], $0x8000;
	(pc) =	sbr.rel @!p0 .LBB2_2-.Ltmp0, $4  }
0x56: {  	[sflag:s31] =	ssyncset.done $0x0  }
0x57: {  	[sflag:s31] =	ssyncadd.s32 $0xFFFF8000  }
0x58: {  	_ =	swait.ge [sflag:s31], $0x8000  }
0x59: {  	s2 =	sadd.s32 $0xFFFFFFFF, s0;
	[sflag:s31] =	ssyncset.done $0x0  }
.LBB2_1:
0x5a: {  	[sflag:s31] =	ssyncadd.s32 $0xFFFF8000  }
0x5b: {  	[tilespmem:s4], [sflag:$0x2] =	stream.linear.gather [hbm4b:s3+s4], $0x800, $0x38;
	[tilespmem:$0x8000] =	vst v63  }
0x5c: {  	s0 =	simm.s32 $0x1000  }
0x5d: {  	[tilespmem:s0], [sflag:$0x2] =	stream.linear.gather [hbm4b:s6+s4], $0x800, $0x38;
	[tilespmem:$0x8000] =	vst v63  }
0x5e: {  	_ = 	snop  }
0x5f: {  	[tilespmem:s9], [sflag:$0x2] =	stream.linear.gather [hbm4b:s8+s4], $0x800, $0x38;
	[tilespmem:$0x8000] =	vst v63  }
0x60: {  	_ = 	snop  }
0x61: {  	[tilespmem:s11], [sflag:$0x2] =	stream.linear.gather [hbm4b:s10+s4], $0x800, $0x38;
	[tilespmem:$0x8000] =	vst v63  }
0x62: {  	_ =	swait.ge [sflag:s12], $0x2000  }
0x63: {  	[sflag:s12] =	ssyncset.done $0x0  }
0x64: {  	[sflag:s12] =	ssyncadd.s32 $0xFFFFE000  }
0x65: {  	[tilespmem:s13], [sflag:$0x2] =	stream.linear.gather [hbm4b:s3+s4], $0x800, $0x38;
	[tilespmem:$0x8000] =	vst v63  }
0x66: {  	_ = 	snop  }
0x67: {  	[tilespmem:s14], [sflag:$0x2] =	stream.linear.gather [hbm4b:s6+s4], $0x800, $0x38;
	[tilespmem:$0x8000] =	vst v63  }
0x68: {  	_ = 	snop  }
0x69: {  	[tilespmem:s15], [sflag:$0x2] =	stream.linear.gather [hbm4b:s8+s4], $0x800, $0x38;
	[tilespmem:$0x8000] =	vst v63  }
0x6a: {  	_ = 	snop  }
0x6b: {  	[tilespmem:s16], [sflag:$0x2] =	stream.linear.gather [hbm4b:s10+s4], $0x800, $0x38;
	[tilespmem:$0x8000] =	vst v63  }
0x6c: {  	_ =	swait.ge [sflag:s12], $0x2000  }
0x6d: {  	[sflag:s12] =	ssyncset.done $0x0  }
0x6e: {  	[sflag:s12] =	ssyncadd.s32 $0xFFFFE000  }
0x6f: {  	[tilespmem:s17], [sflag:$0x2] =	stream.indirect_vreg.gather [hbm4b:s1+s4], $0x80, v0, vm0, $0xb8;
	[tilespmem:$0x8000] =	vst v63  }
0x70: {  	_ = 	snop  }
0x71: {  	[tilespmem:s18], [sflag:$0x2] =	stream.indirect_vreg.gather [hbm4b:s1+s4], $0x80, v1, vm0, $0xb8;
	[tilespmem:$0x8000] =	vst v63  }
0x72: {  	_ =	swait.ge [sflag:s12], $0x1000  }
0x73: {  	[sflag:s12] =	ssyncset.done $0x0  }
0x74: {  	[sflag:s12] =	ssyncadd.s32 $0xFFFFF000  }
0x75: {  	[tilespmem:s19], [sflag:$0x2] =	stream.indirect_vreg.gather [hbm4b:s1+s4], $0x80, v0, vm0, $0xb8;
	[tilespmem:$0x8000] =	vst v63  }
0x76: {  	_ = 	snop  }
0x77: {  	[tilespmem:s20], [sflag:$0x2] =	stream.indirect_vreg.gather [hbm4b:s1+s4], $0x80, v1, vm0, $0xb8;
	[tilespmem:$0x8000] =	vst v63  }
0x78: {  	_ =	swait.ge [sflag:s12], $0x1000  }
0x79: {  	[sflag:s12] =	ssyncset.done $0x0  }
0x7a: {  	[sflag:s12] =	ssyncadd.s32 $0xFFFFF000  }
0x7b: {  	[tilespmem:s21], [sflag:$0x2] =	stream.indirect_vreg.gather [hbm4b:s1+s4], $0x80, v2, vm0, $0xb8;
	[tilespmem:$0x8000] =	vst v63  }
0x7c: {  	_ = 	snop  }
0x7d: {  	[tilespmem:s22], [sflag:$0x2] =	stream.indirect_vreg.gather [hbm4b:s1+s4], $0x80, v3, vm0, $0xb8;
	[tilespmem:$0x8000] =	vst v63  }
0x7e: {  	_ =	swait.ge [sflag:s12], $0x1000  }
0x7f: {  	[sflag:s12] =	ssyncset.done $0x0  }
0x80: {  	[sflag:s12] =	ssyncadd.s32 $0xFFFFF000  }
0x81: {  	[tilespmem:s23], [sflag:$0x2] =	stream.indirect_vreg.gather [hbm4b:s1+s4], $0x80, v2, vm0, $0xb8;
	[tilespmem:$0x8000] =	vst v63  }
0x82: {  	_ = 	snop  }
0x83: {  	[tilespmem:s24], [sflag:$0x2] =	stream.indirect_vreg.gather [hbm4b:s1+s4], $0x80, v3, vm0, $0xb8;
	[tilespmem:$0x8000] =	vst v63  }
0x84: {  	_ =	swait.ge [sflag:s12], $0x1000  }
0x85: {  	[sflag:s12] =	ssyncset.done $0x0  }
0x86: {  	[sflag:s12] =	ssyncadd.s32 $0xFFFFF000  }
0x87: {  	[hbm4b:s5+s4] =	stream.linear.scatter [tilespmem:s4], [sflag:$0x1], $0x8000, $0x38;
	[tilespmem:$0x8000] =	vst v63  }
0x88: {  	s0 =	rddreg [dreg:$0x4]  }
0x89: {  	[hbm4b:s0+s4] =	stream.linear.scatter [tilespmem:s4], [sflag:$0x1], $0x8000, $0x38;
	[tilespmem:$0x8000] =	vst v63  }
0x8a: {  	s7 =	rddreg [dreg:$0x5]  }
0x8b: {  	[hbm4b:s7+s4] =	stream.linear.scatter [tilespmem:s4], [sflag:$0x1], $0x8000, $0x38;
	[tilespmem:$0x8000] =	vst v63  }
0x8c: {  	_ = 	snop  }
0x8d: {  	[hbm4b:s25+s4] =	stream.linear.scatter [tilespmem:s4], [sflag:$0x1], $0x8000, $0x38;
	[tilespmem:$0x8000] =	vst v63  }
0x8e: {  	_ = 	snop  }
0x8f: {  	[hbm4b:s26+s4] =	stream.linear.scatter [tilespmem:s4], [sflag:$0x1], $0x8000, $0x38;
	[tilespmem:$0x8000] =	vst v63  }
0x90: {  	_ = 	snop  }
0x91: {  	[hbm4b:s28+s4] =	stream.linear.scatter [tilespmem:s4], [sflag:$0x1], $0x8000, $0x38;
	[tilespmem:$0x8000] =	vst v63  }
0x92: {  	_ = 	snop  }
0x93: {  	[hbm4b:s29+s4] =	stream.linear.scatter [tilespmem:s4], [sflag:$0x1], $0x8000, $0x38;
	[tilespmem:$0x8000] =	vst v63  }
0x94: {  	_ = 	snop  }
0x95: {  	[hbm4b:s30+s4] =	stream.linear.scatter [tilespmem:s4], [sflag:$0x1], $0x8000, $0x38;
	[tilespmem:$0x8000] =	vst v63  }
0x96: {  	_ =	swait.ge [sflag:s31], $0x8000  }
0x97: {  	[sflag:s31] =	ssyncset.done $0x0  }
0x98: {  	[sflag:s31] =	ssyncadd.s32 $0xFFFF8000  }
0x99: {  	_ =	swait.ge [sflag:s31], $0x8000  }
0x9a: {  	[sflag:s31] =	ssyncset.done $0x0  }
0x9b: {  	[sflag:s31] =	ssyncadd.s32 $0xFFFF8000  }
0x9c: {  	_ =	swait.ge [sflag:s31], $0x8000  }
0x9d: {  	[sflag:s31] =	ssyncset.done $0x0  }
0x9e: {  	[sflag:s31] =	ssyncadd.s32 $0xFFFF8000  }
0x9f: {  	_ =	swait.ge [sflag:s31], $0x8000  }
0xa0: {  	[sflag:s31] =	ssyncset.done $0x0  }
0xa1: {  	[sflag:s31] =	ssyncadd.s32 $0xFFFF8000  }
0xa2: {  	_ =	swait.ge [sflag:s31], $0x8000  }
0xa3: {  	[sflag:s31] =	ssyncset.done $0x0  }
0xa4: {  	[sflag:s31] =	ssyncadd.s32 $0xFFFF8000  }
0xa5: {  	_ =	swait.ge [sflag:s31], $0x8000  }
0xa6: {  	[sflag:s31] =	ssyncset.done $0x0  }
0xa7: {  	p0 =	sne.s32 s2, $0x1;
	[sflag:s31] =	ssyncadd.s32 $0xFFFF8000  }
.Ltmp1:
0xa8: {  	_ =	swait.ge [sflag:s31], $0x8000;
	(pc) =	sbr.rel @p0 .LBB2_1-.Ltmp1, $4  }
0xa9: {  	[sflag:s31] =	ssyncset.done $0x0  }
0xaa: {  	[sflag:s31] =	ssyncadd.s32 $0xFFFF8000  }
0xab: {  	_ =	swait.ge [sflag:s31], $0x8000  }
0xac: {  	s2 =	sadd.s32 $0xFFFFFFFF, s2;
	[sflag:s31] =	ssyncset.done $0x0  }
.LBB2_2:
0xad: {  	[sflag:s31] =	ssyncadd.s32 $0xFFFF8000  }
0xae: {  	_ =	sfence.sel $0x180000  }
0xaf: {  	[bflag:$0x0] =	sbarrier.arrive $0xFFFF  }
0xb0: {  	_ =	strace $0x90000047  }
0xb1: {  	s0 =	stileid.u32;
	[bflag:$0x2] =	sbarrier.arrive $0xFFFF  }
0xb2: {  	p0 =	sne.s32 s0, $0x0;
	s0 =	rddreg [dreg:$0x3]  }
0xb3: {  	s0 =	sadd.s32 @!p0 $0x100000, s0  }
0xb4: {  	[sflag:s0] =	ssyncadd.tile.s32 @!p0 $0x1;
	_ =	shalt  }
.Lfunc_end2:
_tile_overlayer_lowered:
.L_overlay_start_2:
0xb5: {  	(tag) =	ssettag $0x2  }
0xb6: {  	s0 =	rddreg [dreg:$0x0];
	s2 =	stileid.u32  }
0xb7: {  	s1 =	rddreg [dreg:$0x1];
	p0 =	sne.s32 s2, $0x0  }
0xb8: {  	s3 =	rddreg [dreg:$0x2];
	[bflag:$0x3] =	sbarrier.arrive $0xFFFF;
	s2 =	simm.s32 @!p0 $0x1C02  }
0xb9: {  	[timem:s3], [sflag:s2] =	dma.local @!p0 [hbm:s0], s1  }
0xba: {  	s0 =	simm.s32 @!p0 $0x2  }
0xbb: {  	_ =	swait.ge @!p0 [sflag:s0], s1  }
0xbc: {  	s1 =	ssub.s32 @!p0 $0x0, s1;
	[sflag:s0] =	ssyncset.done @!p0 $0x0  }
0xbd: {  	[sflag:s0] =	ssyncadd.s32 @!p0 s1  }
0xbe: {  	[bflag:$0x3] =	sbarrier.arrive $0xFFFF  }
0xbf: {  	_ =	shalt  }

</sc_bundles>
